<compile_context>
chip_gen: v7x
topology: tpu7x:2x2x1
jax: 0.10.2.dev20260603
libtpu: 0.0.44.dev20260713+nightly
codegen_flags: <defaults>
</compile_context>

<pallas_src>
import functools

import jax
import jax.numpy as jnp
from jax import lax
from jax.experimental import pallas as pl
from jax.experimental.pallas import tpu as pltpu
from jax.experimental.pallas import tpu_sc as plsc

B, L = 4096, 200
VOCAB_SIZE, CONCEPT_DIM = 32, 8
N_EMB, D_EMB = 64, 16

_INFO = plsc.get_sparse_core_info()
_NC, _NS, _LANES = _INFO.num_cores, _INFO.num_subcores, _INFO.num_lanes
_NW = _NC * _NS
_RW = B // _NW
_GROUPS = _RW // _LANES


def _sc_hist(ids_hbm, out_hbm, ids_v, counts_v):
    wid = lax.axis_index("s") * _NC + lax.axis_index("c")
    base = wid * _RW
    pltpu.sync_copy(ids_hbm.at[pl.ds(base * L, _RW * L)], ids_v)

    zeros = jnp.zeros((_LANES,), jnp.float32)

    def _zero(i, carry):
        counts_v[pl.ds(i * _LANES, _LANES)] = zeros
        return carry
    lax.fori_loop(0, _RW * N_EMB // _LANES, _zero, 0)

    ones = jnp.ones((_LANES,), jnp.float32)
    lane_iota = lax.iota(jnp.int32, _LANES)
    for g in range(_GROUPS):
        row_idx = g * _LANES + lane_iota
        id_off = row_idx * L
        cnt_off = row_idx * N_EMB

        def _step(l, carry, id_off=id_off, cnt_off=cnt_off):
            ids16 = plsc.load_gather(ids_v, [id_off + l])
            plsc.addupdate_scatter(counts_v, [cnt_off + ids16], ones)
            return carry
        lax.fori_loop(0, L, _step, 0)

    pltpu.sync_copy(counts_v, out_hbm.at[pl.ds(base * N_EMB, _RW * N_EMB)])


@functools.partial(
    pl.kernel,
    out_type=jax.ShapeDtypeStruct((B * N_EMB,), jnp.float32),
    scratch_types=[
        pltpu.VMEM((_RW * L,), jnp.int32),
        pltpu.VMEM((_RW * N_EMB,), jnp.float32),
    ],
    mesh=plsc.VectorSubcoreMesh(core_axis_name="c", subcore_axis_name="s"),
    compiler_params=pltpu.CompilerParams(needs_layout_passes=False),
)
def _sc_counts(ids_hbm, out_hbm, ids_v, counts_v):
    _sc_hist(ids_hbm, out_hbm, ids_v, counts_v)


TC_BLOCK = 1024


def _tc_heads(counts_ref, embed_ref, wh_ref, bh_ref, wc_ref, bc_ref,
              logits_ref, conc_ref):
    counts = counts_ref[...]
    x = jnp.dot(counts, embed_ref[...], preferred_element_type=jnp.float32)
    x = x * (1.0 / L)
    logits_ref[...] = jnp.dot(
        x, wh_ref[...], preferred_element_type=jnp.float32) + bh_ref[...]
    conc_ref[...] = jnp.dot(
        x, wc_ref[...], preferred_element_type=jnp.float32) + bc_ref[...]


@jax.jit
def kernel(input_ids, embed, W_head, b_head, W_concept, b_concept):
    counts_flat = _sc_counts(input_ids.reshape(B * L))
    counts = counts_flat.reshape(B, N_EMB)
    logits2d, concepts = pl.pallas_call(
        _tc_heads,
        grid=(B // TC_BLOCK,),
        in_specs=[
            pl.BlockSpec((TC_BLOCK, N_EMB), lambda i: (i, 0)),
            pl.BlockSpec((N_EMB, D_EMB), lambda i: (0, 0)),
            pl.BlockSpec((D_EMB, VOCAB_SIZE), lambda i: (0, 0)),
            pl.BlockSpec((1, VOCAB_SIZE), lambda i: (0, 0)),
            pl.BlockSpec((D_EMB, CONCEPT_DIM), lambda i: (0, 0)),
            pl.BlockSpec((1, CONCEPT_DIM), lambda i: (0, 0)),
        ],
        out_specs=[
            pl.BlockSpec((TC_BLOCK, VOCAB_SIZE), lambda i: (i, 0)),
            pl.BlockSpec((TC_BLOCK, CONCEPT_DIM), lambda i: (i, 0)),
        ],
        out_shape=[
            jax.ShapeDtypeStruct((B, VOCAB_SIZE), jnp.float32),
            jax.ShapeDtypeStruct((B, CONCEPT_DIM), jnp.float32),
        ],
    )(counts, embed, W_head, b_head.reshape(1, VOCAB_SIZE),
      W_concept, b_concept.reshape(1, CONCEPT_DIM))
    logits = jnp.broadcast_to(logits2d[:, None, :], (B, L, VOCAB_SIZE))
    vertex_preds = jnp.zeros((B, L), dtype=jnp.int32)
    return (logits, concepts, vertex_preds)

# --- scband reference (transcript-rebuilt; emitter-appended) ---
"""Pipeline reference for scband-mock-model-70909910057789 (READ-ONLY COPY).

The authoritative reference and input builder live on the scoring server;
editing this copy changes nothing except your own understanding.
"""

import jax, jax.numpy as jnp
import numpy as np

B, L = 4096, 200
VOCAB_SIZE, CONCEPT_DIM = 32, 8
N_EMB, D_EMB = 64, 16


def setup_inputs(seed: int = 0) -> dict:
    key = jax.random.key(seed)
    k1, k2, k3, k4, k5, k6 = jax.random.split(key, 6)
    return {
        "input_ids": jax.random.randint(k1, (B, L), 0, N_EMB),
        "embed": jax.random.normal(k2, (N_EMB, D_EMB), dtype=jnp.float32),
        "W_head": jax.random.normal(k3, (D_EMB, VOCAB_SIZE), dtype=jnp.float32) * 0.05,
        "b_head": jax.random.normal(k4, (VOCAB_SIZE,), dtype=jnp.float32) * 0.05,
        "W_concept": jax.random.normal(k5, (D_EMB, CONCEPT_DIM), dtype=jnp.float32) * 0.05,
        "b_concept": jax.random.normal(k6, (CONCEPT_DIM,), dtype=jnp.float32) * 0.05,
    }


def reference(input_ids, embed, W_head, b_head, W_concept, b_concept):
    # x = self.embed(ids).mean(dim=1)
    x = jnp.take(embed, input_ids, axis=0).mean(axis=1)
    # logits = self.head(x).unsqueeze(1).repeat(1, L, 1)
    logits = x @ W_head + b_head
    logits = jnp.tile(logits[:, None, :], (1, input_ids.shape[1], 1))
    # concepts = self.concept_head(x)
    concepts = x @ W_concept + b_concept
    # vertex_preds = torch.zeros(B, L, dtype=torch.long)
    vertex_preds = jnp.zeros(input_ids.shape, dtype=jnp.int32)
    return (logits, concepts, vertex_preds)

if __name__ == "__main__":
    import jax
    _d = setup_inputs()
    print(jax.jit(kernel)(*tuple(_d.values())))

</pallas_src>

<mosaic_0001>
#map = affine_map<(d0, d1) -> (0)>
module attributes {stable_mosaic.version = 14 : i64} {
  func.func @_sc_counts(%arg0: i32, %arg1: i32, %arg2: memref<819200xi32, #tpu.memory_space<hbm>>, %arg3: memref<262144xf32, #tpu.memory_space<hbm>>, %arg4: memref<25600xi32, #tpu.memory_space<vmem>>, %arg5: memref<8192xf32, #tpu.memory_space<vmem>>) attributes {dimension_semantics = [#tpu.dimension_semantics<core_parallel>, #tpu.dimension_semantics<subcore_parallel>], iteration_bounds = array<i64: 2, 16>, scalar_prefetch = 0 : i64, scratch_operands = 2 : i64, tpu.core_type = #tpu.core_type<sc_vector_subcore>, window_params = [{transform_indices = #map}, {transform_indices = #map}]} {
    %mul3A = arith.constant 2 : i32
    %mul3A_0 = arith.muli %arg1, %mul3A : i32
    %add3A = arith.addi %mul3A_0, %arg0 : i32
    %mul3A_1 = arith.constant 128 : i32
    %mul3A_2 = arith.muli %add3A, %mul3A_1 : i32
    %mul3A_3 = arith.constant 200 : i32
    %mul3A_4 = arith.muli %mul3A_2, %mul3A_3 : i32
    "tpu.region"() ({
      %run_scoped3A = tpu.sem_alloc : memref<!tpu.dma_semaphore, #tpu.memory_space<semaphore_mem>>
      %dma_start3A = tpu.memref_slice %arg2[%mul3A_4] : memref<819200xi32, #tpu.memory_space<hbm>> -> memref<25600xi32, #tpu.memory_space<hbm>>
      %dma_start3A_135 = tpu.memref_slice %arg2[%mul3A_4] : memref<819200xi32, #tpu.memory_space<hbm>> -> memref<25600xi32, #tpu.memory_space<hbm>>
      tpu.enqueue_dma source(%dma_start3A_135 : memref<25600xi32, #tpu.memory_space<hbm>>) target(%arg4 : memref<25600xi32, #tpu.memory_space<vmem>>) target_semaphore(%run_scoped3A : memref<!tpu.dma_semaphore, #tpu.memory_space<semaphore_mem>>)
      %dma_wait3A = tpu.memref_slice %arg2[%mul3A_4] : memref<819200xi32, #tpu.memory_space<hbm>> -> memref<25600xi32, #tpu.memory_space<hbm>>
      %dma_wait3A_136 = tpu.memref_slice %arg2[%mul3A_4] : memref<819200xi32, #tpu.memory_space<hbm>> -> memref<25600xi32, #tpu.memory_space<hbm>>
      tpu.wait_dma2 semaphore(%run_scoped3A : memref<!tpu.dma_semaphore, #tpu.memory_space<semaphore_mem>>) src(%dma_wait3A_136 : memref<25600xi32, #tpu.memory_space<hbm>>) dst(%arg4 : memref<25600xi32, #tpu.memory_space<vmem>>)
      tpu.yield
    }) : () -> ()
    %broadcast_in_dim3A = arith.constant 0.000000e+00 : f32
    %broadcast_in_dim3A_5 = vector.broadcast %broadcast_in_dim3A : f32 to vector<16xf32>
    %scan3A = arith.constant 0 : i32
    %scan3A_6 = arith.constant 0 : i32
    %scan3A_7 = arith.constant 512 : i32
    %scan3A_8 = arith.addi %scan3A_6, %scan3A_7 : i32
    %scan3A_9 = arith.constant 1 : i32
    scf.for %scan3A_135 = %scan3A_6 to %scan3A_8 step %scan3A_9  : i32 {
      %mul3A_136 = arith.constant 16 : i32
      %mul3A_137 = arith.muli %scan3A_135, %mul3A_136 : i32
      %swap3A = arith.index_cast %mul3A_137 : i32 to index
      %swap3A_138 = tpu.vector_load %arg5[%swap3A] {strides = array<i32>} : memref<8192xf32, #tpu.memory_space<vmem>>, vector<16xf32>,
      tpu.vector_store %arg5[%swap3A], %broadcast_in_dim3A_5 {strides = array<i32>} : memref<8192xf32, #tpu.memory_space<vmem>>, vector<16xf32>,
    }
    %scan3A_10 = arith.constant 512 : i32
    %broadcast_in_dim3A_11 = arith.constant 1.000000e+00 : f32
    %broadcast_in_dim3A_12 = vector.broadcast %broadcast_in_dim3A_11 : f32 to vector<16xf32>
    %iota3A = tpu.iota {dimensions = array<i32: 0>} : vector<16xi32>
    %add3A_13 = arith.constant 0 : i32
    %add3A_14 = vector.broadcast %add3A_13 : i32 to vector<16xi32>
    %add3A_15 = arith.addi %add3A_14, %iota3A : vector<16xi32>
    %mul3A_16 = arith.constant 200 : i32
    %mul3A_17 = vector.broadcast %mul3A_16 : i32 to vector<16xi32>
    %mul3A_18 = arith.muli %add3A_15, %mul3A_17 : vector<16xi32>
    %mul3A_19 = arith.constant 64 : i32
    %mul3A_20 = vector.broadcast %mul3A_19 : i32 to vector<16xi32>
    %mul3A_21 = arith.muli %add3A_15, %mul3A_20 : vector<16xi32>
    %scan3A_22 = arith.constant 0 : i32
    %scan3A_23 = arith.constant 0 : i32
    %scan3A_24 = arith.constant 200 : i32
    %scan3A_25 = arith.addi %scan3A_23, %scan3A_24 : i32
    %scan3A_26 = arith.constant 1 : i32
    scf.for %scan3A_135 = %scan3A_23 to %scan3A_25 step %scan3A_26  : i32 {
      %add3A_136 = vector.broadcast %scan3A_135 : i32 to vector<16xi32>
      %add3A_137 = arith.addi %mul3A_18, %add3A_136 : vector<16xi32>
      %gather3A = tpu.vector_load_idx %arg4[%add3A_137] : memref<25600xi32, #tpu.memory_space<vmem>>[vector<16xi32>], vector<16xi32>,
      %add3A_138 = arith.addi %mul3A_21, %gather3A : vector<16xi32>
      tpu.vector_store_idx %arg5[%add3A_138], %broadcast_in_dim3A_12 {add = true} : memref<8192xf32, #tpu.memory_space<vmem>>[vector<16xi32>], vector<16xf32>,
    }
    %scan3A_27 = arith.constant 200 : i32
    %add3A_28 = arith.constant 16 : i32
    %add3A_29 = vector.broadcast %add3A_28 : i32 to vector<16xi32>
    %add3A_30 = arith.addi %add3A_29, %iota3A : vector<16xi32>
    %mul3A_31 = arith.constant 200 : i32
    %mul3A_32 = vector.broadcast %mul3A_31 : i32 to vector<16xi32>
    %mul3A_33 = arith.muli %add3A_30, %mul3A_32 : vector<16xi32>
    %mul3A_34 = arith.constant 64 : i32
    %mul3A_35 = vector.broadcast %mul3A_34 : i32 to vector<16xi32>
    %mul3A_36 = arith.muli %add3A_30, %mul3A_35 : vector<16xi32>
    %scan3A_37 = arith.constant 0 : i32
    %scan3A_38 = arith.constant 0 : i32
    %scan3A_39 = arith.constant 200 : i32
    %scan3A_40 = arith.addi %scan3A_38, %scan3A_39 : i32
    %scan3A_41 = arith.constant 1 : i32
    scf.for %scan3A_135 = %scan3A_38 to %scan3A_40 step %scan3A_41  : i32 {
      %add3A_136 = vector.broadcast %scan3A_135 : i32 to vector<16xi32>
      %add3A_137 = arith.addi %mul3A_33, %add3A_136 : vector<16xi32>
      %gather3A = tpu.vector_load_idx %arg4[%add3A_137] : memref<25600xi32, #tpu.memory_space<vmem>>[vector<16xi32>], vector<16xi32>,
      %add3A_138 = arith.addi %mul3A_36, %gather3A : vector<16xi32>
      tpu.vector_store_idx %arg5[%add3A_138], %broadcast_in_dim3A_12 {add = true} : memref<8192xf32, #tpu.memory_space<vmem>>[vector<16xi32>], vector<16xf32>,
    }
    %scan3A_42 = arith.constant 200 : i32
    %add3A_43 = arith.constant 32 : i32
    %add3A_44 = vector.broadcast %add3A_43 : i32 to vector<16xi32>
    %add3A_45 = arith.addi %add3A_44, %iota3A : vector<16xi32>
    %mul3A_46 = arith.constant 200 : i32
    %mul3A_47 = vector.broadcast %mul3A_46 : i32 to vector<16xi32>
    %mul3A_48 = arith.muli %add3A_45, %mul3A_47 : vector<16xi32>
    %mul3A_49 = arith.constant 64 : i32
    %mul3A_50 = vector.broadcast %mul3A_49 : i32 to vector<16xi32>
    %mul3A_51 = arith.muli %add3A_45, %mul3A_50 : vector<16xi32>
    %scan3A_52 = arith.constant 0 : i32
    %scan3A_53 = arith.constant 0 : i32
    %scan3A_54 = arith.constant 200 : i32
    %scan3A_55 = arith.addi %scan3A_53, %scan3A_54 : i32
    %scan3A_56 = arith.constant 1 : i32
    scf.for %scan3A_135 = %scan3A_53 to %scan3A_55 step %scan3A_56  : i32 {
      %add3A_136 = vector.broadcast %scan3A_135 : i32 to vector<16xi32>
      %add3A_137 = arith.addi %mul3A_48, %add3A_136 : vector<16xi32>
      %gather3A = tpu.vector_load_idx %arg4[%add3A_137] : memref<25600xi32, #tpu.memory_space<vmem>>[vector<16xi32>], vector<16xi32>,
      %add3A_138 = arith.addi %mul3A_51, %gather3A : vector<16xi32>
      tpu.vector_store_idx %arg5[%add3A_138], %broadcast_in_dim3A_12 {add = true} : memref<8192xf32, #tpu.memory_space<vmem>>[vector<16xi32>], vector<16xf32>,
    }
    %scan3A_57 = arith.constant 200 : i32
    %add3A_58 = arith.constant 48 : i32
    %add3A_59 = vector.broadcast %add3A_58 : i32 to vector<16xi32>
    %add3A_60 = arith.addi %add3A_59, %iota3A : vector<16xi32>
    %mul3A_61 = arith.constant 200 : i32
    %mul3A_62 = vector.broadcast %mul3A_61 : i32 to vector<16xi32>
    %mul3A_63 = arith.muli %add3A_60, %mul3A_62 : vector<16xi32>
    %mul3A_64 = arith.constant 64 : i32
    %mul3A_65 = vector.broadcast %mul3A_64 : i32 to vector<16xi32>
    %mul3A_66 = arith.muli %add3A_60, %mul3A_65 : vector<16xi32>
    %scan3A_67 = arith.constant 0 : i32
    %scan3A_68 = arith.constant 0 : i32
    %scan3A_69 = arith.constant 200 : i32
    %scan3A_70 = arith.addi %scan3A_68, %scan3A_69 : i32
    %scan3A_71 = arith.constant 1 : i32
    scf.for %scan3A_135 = %scan3A_68 to %scan3A_70 step %scan3A_71  : i32 {
      %add3A_136 = vector.broadcast %scan3A_135 : i32 to vector<16xi32>
      %add3A_137 = arith.addi %mul3A_63, %add3A_136 : vector<16xi32>
      %gather3A = tpu.vector_load_idx %arg4[%add3A_137] : memref<25600xi32, #tpu.memory_space<vmem>>[vector<16xi32>], vector<16xi32>,
      %add3A_138 = arith.addi %mul3A_66, %gather3A : vector<16xi32>
      tpu.vector_store_idx %arg5[%add3A_138], %broadcast_in_dim3A_12 {add = true} : memref<8192xf32, #tpu.memory_space<vmem>>[vector<16xi32>], vector<16xf32>,
    }
    %scan3A_72 = arith.constant 200 : i32
    %add3A_73 = arith.constant 64 : i32
    %add3A_74 = vector.broadcast %add3A_73 : i32 to vector<16xi32>
    %add3A_75 = arith.addi %add3A_74, %iota3A : vector<16xi32>
    %mul3A_76 = arith.constant 200 : i32
    %mul3A_77 = vector.broadcast %mul3A_76 : i32 to vector<16xi32>
    %mul3A_78 = arith.muli %add3A_75, %mul3A_77 : vector<16xi32>
    %mul3A_79 = arith.constant 64 : i32
    %mul3A_80 = vector.broadcast %mul3A_79 : i32 to vector<16xi32>
    %mul3A_81 = arith.muli %add3A_75, %mul3A_80 : vector<16xi32>
    %scan3A_82 = arith.constant 0 : i32
    %scan3A_83 = arith.constant 0 : i32
    %scan3A_84 = arith.constant 200 : i32
    %scan3A_85 = arith.addi %scan3A_83, %scan3A_84 : i32
    %scan3A_86 = arith.constant 1 : i32
    scf.for %scan3A_135 = %scan3A_83 to %scan3A_85 step %scan3A_86  : i32 {
      %add3A_136 = vector.broadcast %scan3A_135 : i32 to vector<16xi32>
      %add3A_137 = arith.addi %mul3A_78, %add3A_136 : vector<16xi32>
      %gather3A = tpu.vector_load_idx %arg4[%add3A_137] : memref<25600xi32, #tpu.memory_space<vmem>>[vector<16xi32>], vector<16xi32>,
      %add3A_138 = arith.addi %mul3A_81, %gather3A : vector<16xi32>
      tpu.vector_store_idx %arg5[%add3A_138], %broadcast_in_dim3A_12 {add = true} : memref<8192xf32, #tpu.memory_space<vmem>>[vector<16xi32>], vector<16xf32>,
    }
    %scan3A_87 = arith.constant 200 : i32
    %add3A_88 = arith.constant 80 : i32
    %add3A_89 = vector.broadcast %add3A_88 : i32 to vector<16xi32>
    %add3A_90 = arith.addi %add3A_89, %iota3A : vector<16xi32>
    %mul3A_91 = arith.constant 200 : i32
    %mul3A_92 = vector.broadcast %mul3A_91 : i32 to vector<16xi32>
    %mul3A_93 = arith.muli %add3A_90, %mul3A_92 : vector<16xi32>
    %mul3A_94 = arith.constant 64 : i32
    %mul3A_95 = vector.broadcast %mul3A_94 : i32 to vector<16xi32>
    %mul3A_96 = arith.muli %add3A_90, %mul3A_95 : vector<16xi32>
    %scan3A_97 = arith.constant 0 : i32
    %scan3A_98 = arith.constant 0 : i32
    %scan3A_99 = arith.constant 200 : i32
    %scan3A_100 = arith.addi %scan3A_98, %scan3A_99 : i32
    %scan3A_101 = arith.constant 1 : i32
    scf.for %scan3A_135 = %scan3A_98 to %scan3A_100 step %scan3A_101  : i32 {
      %add3A_136 = vector.broadcast %scan3A_135 : i32 to vector<16xi32>
      %add3A_137 = arith.addi %mul3A_93, %add3A_136 : vector<16xi32>
      %gather3A = tpu.vector_load_idx %arg4[%add3A_137] : memref<25600xi32, #tpu.memory_space<vmem>>[vector<16xi32>], vector<16xi32>,
      %add3A_138 = arith.addi %mul3A_96, %gather3A : vector<16xi32>
      tpu.vector_store_idx %arg5[%add3A_138], %broadcast_in_dim3A_12 {add = true} : memref<8192xf32, #tpu.memory_space<vmem>>[vector<16xi32>], vector<16xf32>,
    }
    %scan3A_102 = arith.constant 200 : i32
    %add3A_103 = arith.constant 96 : i32
    %add3A_104 = vector.broadcast %add3A_103 : i32 to vector<16xi32>
    %add3A_105 = arith.addi %add3A_104, %iota3A : vector<16xi32>
    %mul3A_106 = arith.constant 200 : i32
    %mul3A_107 = vector.broadcast %mul3A_106 : i32 to vector<16xi32>
    %mul3A_108 = arith.muli %add3A_105, %mul3A_107 : vector<16xi32>
    %mul3A_109 = arith.constant 64 : i32
    %mul3A_110 = vector.broadcast %mul3A_109 : i32 to vector<16xi32>
    %mul3A_111 = arith.muli %add3A_105, %mul3A_110 : vector<16xi32>
    %scan3A_112 = arith.constant 0 : i32
    %scan3A_113 = arith.constant 0 : i32
    %scan3A_114 = arith.constant 200 : i32
    %scan3A_115 = arith.addi %scan3A_113, %scan3A_114 : i32
    %scan3A_116 = arith.constant 1 : i32
    scf.for %scan3A_135 = %scan3A_113 to %scan3A_115 step %scan3A_116  : i32 {
      %add3A_136 = vector.broadcast %scan3A_135 : i32 to vector<16xi32>
      %add3A_137 = arith.addi %mul3A_108, %add3A_136 : vector<16xi32>
      %gather3A = tpu.vector_load_idx %arg4[%add3A_137] : memref<25600xi32, #tpu.memory_space<vmem>>[vector<16xi32>], vector<16xi32>,
      %add3A_138 = arith.addi %mul3A_111, %gather3A : vector<16xi32>
      tpu.vector_store_idx %arg5[%add3A_138], %broadcast_in_dim3A_12 {add = true} : memref<8192xf32, #tpu.memory_space<vmem>>[vector<16xi32>], vector<16xf32>,
    }
    %scan3A_117 = arith.constant 200 : i32
    %add3A_118 = arith.constant 112 : i32
    %add3A_119 = vector.broadcast %add3A_118 : i32 to vector<16xi32>
    %add3A_120 = arith.addi %add3A_119, %iota3A : vector<16xi32>
    %mul3A_121 = arith.constant 200 : i32
    %mul3A_122 = vector.broadcast %mul3A_121 : i32 to vector<16xi32>
    %mul3A_123 = arith.muli %add3A_120, %mul3A_122 : vector<16xi32>
    %mul3A_124 = arith.constant 64 : i32
    %mul3A_125 = vector.broadcast %mul3A_124 : i32 to vector<16xi32>
    %mul3A_126 = arith.muli %add3A_120, %mul3A_125 : vector<16xi32>
    %scan3A_127 = arith.constant 0 : i32
    %scan3A_128 = arith.constant 0 : i32
    %scan3A_129 = arith.constant 200 : i32
    %scan3A_130 = arith.addi %scan3A_128, %scan3A_129 : i32
    %scan3A_131 = arith.constant 1 : i32
    scf.for %scan3A_135 = %scan3A_128 to %scan3A_130 step %scan3A_131  : i32 {
      %add3A_136 = vector.broadcast %scan3A_135 : i32 to vector<16xi32>
      %add3A_137 = arith.addi %mul3A_123, %add3A_136 : vector<16xi32>
      %gather3A = tpu.vector_load_idx %arg4[%add3A_137] : memref<25600xi32, #tpu.memory_space<vmem>>[vector<16xi32>], vector<16xi32>,
      %add3A_138 = arith.addi %mul3A_126, %gather3A : vector<16xi32>
      tpu.vector_store_idx %arg5[%add3A_138], %broadcast_in_dim3A_12 {add = true} : memref<8192xf32, #tpu.memory_space<vmem>>[vector<16xi32>], vector<16xf32>,
    }
    %scan3A_132 = arith.constant 200 : i32
    %mul3A_133 = arith.constant 64 : i32
    %mul3A_134 = arith.muli %mul3A_2, %mul3A_133 : i32
    "tpu.region"() ({
      %run_scoped3A = tpu.sem_alloc : memref<!tpu.dma_semaphore, #tpu.memory_space<semaphore_mem>>
      %dma_start3A = tpu.memref_slice %arg3[%mul3A_134] : memref<262144xf32, #tpu.memory_space<hbm>> -> memref<8192xf32, #tpu.memory_space<hbm>>
      %dma_start3A_135 = tpu.memref_slice %arg3[%mul3A_134] : memref<262144xf32, #tpu.memory_space<hbm>> -> memref<8192xf32, #tpu.memory_space<hbm>>
      tpu.enqueue_dma source(%arg5 : memref<8192xf32, #tpu.memory_space<vmem>>) target(%dma_start3A_135 : memref<8192xf32, #tpu.memory_space<hbm>>) target_semaphore(%run_scoped3A : memref<!tpu.dma_semaphore, #tpu.memory_space<semaphore_mem>>)
      %dma_wait3A = tpu.memref_slice %arg3[%mul3A_134] : memref<262144xf32, #tpu.memory_space<hbm>> -> memref<8192xf32, #tpu.memory_space<hbm>>
      %dma_wait3A_136 = tpu.memref_slice %arg3[%mul3A_134] : memref<262144xf32, #tpu.memory_space<hbm>> -> memref<8192xf32, #tpu.memory_space<hbm>>
      tpu.wait_dma2 semaphore(%run_scoped3A : memref<!tpu.dma_semaphore, #tpu.memory_space<semaphore_mem>>) src(%arg5 : memref<8192xf32, #tpu.memory_space<vmem>>) dst(%dma_wait3A_136 : memref<8192xf32, #tpu.memory_space<hbm>>)
      tpu.yield
    }) : () -> ()
    return
  }
}

module attributes {stable_mosaic.version = 14 : i64} {
  func.func @_tc_heads(%arg0: i32, %arg1: memref<1024x64xf32, #tpu.memory_space<vmem>>, %arg2: memref<64x16xf32, #tpu.memory_space<vmem>>, %arg3: memref<16x32xf32, #tpu.memory_space<vmem>>, %arg4: memref<1x32xf32, #tpu.memory_space<vmem>>, %arg5: memref<16x8xf32, #tpu.memory_space<vmem>>, %arg6: memref<1x8xf32, #tpu.memory_space<vmem>>, %arg7: memref<1024x32xf32, #tpu.memory_space<vmem>>, %arg8: memref<1024x8xf32, #tpu.memory_space<vmem>>) attributes {dimension_semantics = [#tpu.dimension_semantics<arbitrary>], iteration_bounds = array<i64: 4>, scalar_prefetch = 0 : i64, scratch_operands = 0 : i64, tpu.core_type = #tpu.core_type<tc>, window_params = [{transform_indices = @transform_0, window_bounds = array<i64: 1024, 64>}, {pipeline_mode = #tpu.pipeline_mode<synchronous>, transform_indices = @transform_1, window_bounds = array<i64: 64, 16>}, {pipeline_mode = #tpu.pipeline_mode<synchronous>, transform_indices = @transform_2, window_bounds = array<i64: 16, 32>}, {pipeline_mode = #tpu.pipeline_mode<synchronous>, transform_indices = @transform_3, window_bounds = array<i64: 1, 32>}, {pipeline_mode = #tpu.pipeline_mode<synchronous>, transform_indices = @transform_4, window_bounds = array<i64: 16, 8>}, {pipeline_mode = #tpu.pipeline_mode<synchronous>, transform_indices = @transform_5, window_bounds = array<i64: 1, 8>}, {transform_indices = @transform_6, window_bounds = array<i64: 1024, 32>}, {transform_indices = @transform_7, window_bounds = array<i64: 1024, 8>}]} {
    %get3A = arith.constant 0 : index
    %get3A_0 = arith.constant 0 : index
    %get3A_1 = vector.load %arg1[%get3A, %get3A_0] : memref<1024x64xf32, #tpu.memory_space<vmem>>, vector<1024x64xf32>
    %get3A_2 = arith.constant 0 : index
    %get3A_3 = arith.constant 0 : index
    %get3A_4 = vector.load %arg2[%get3A_2, %get3A_3] : memref<64x16xf32, #tpu.memory_space<vmem>>, vector<64x16xf32>
    %dot_general3A = arith.constant dense<0.000000e+00> : vector<1024x16xf32>
    %dot_general3A_5 = tpu.matmul %get3A_1, %get3A_4, %dot_general3A {dimension_numbers = #tpu.dot_dimension_numbers<[1], [0], [0], [1], [0, 0, 1, 1], [], []>, transpose_lhs_hint = false} : vector<1024x64xf32>, vector<64x16xf32>, vector<1024x16xf32> -> vector<1024x16xf32>
    %mul3A = arith.constant 5.000000e-03 : f32
    %mul3A_6 = vector.broadcast %mul3A : f32 to vector<1024x16xf32>
    %mul3A_7 = arith.mulf %dot_general3A_5, %mul3A_6 : vector<1024x16xf32>
    %get3A_8 = arith.constant 0 : index
    %get3A_9 = arith.constant 0 : index
    %get3A_10 = vector.load %arg3[%get3A_8, %get3A_9] : memref<16x32xf32, #tpu.memory_space<vmem>>, vector<16x32xf32>
    %dot_general3A_11 = arith.constant dense<0.000000e+00> : vector<1024x32xf32>
    %dot_general3A_12 = tpu.matmul %mul3A_7, %get3A_10, %dot_general3A_11 {dimension_numbers = #tpu.dot_dimension_numbers<[1], [0], [0], [1], [0, 0, 1, 1], [], []>, transpose_lhs_hint = false} : vector<1024x16xf32>, vector<16x32xf32>, vector<1024x32xf32> -> vector<1024x32xf32>
    %get3A_13 = arith.constant 0 : index
    %get3A_14 = arith.constant 0 : index
    %get3A_15 = vector.load %arg4[%get3A_13, %get3A_14] : memref<1x32xf32, #tpu.memory_space<vmem>>, vector<1x32xf32>
    %add3A = vector.broadcast %get3A_15 : vector<1x32xf32> to vector<1024x32xf32>
    %add3A_16 = arith.addf %dot_general3A_12, %add3A : vector<1024x32xf32>
    %swap3A = arith.constant 0 : index
    %swap3A_17 = arith.constant 0 : index
    %swap3A_18 = vector.load %arg7[%swap3A, %swap3A_17] : memref<1024x32xf32, #tpu.memory_space<vmem>>, vector<1024x32xf32>
    tpu.vector_store %arg7[%swap3A, %swap3A_17], %add3A_16 {strides = array<i32>} : memref<1024x32xf32, #tpu.memory_space<vmem>>, vector<1024x32xf32>,
    %get3A_19 = arith.constant 0 : index
    %get3A_20 = arith.constant 0 : index
    %get3A_21 = vector.load %arg5[%get3A_19, %get3A_20] : memref<16x8xf32, #tpu.memory_space<vmem>>, vector<16x8xf32>
    %dot_general3A_22 = arith.constant dense<0.000000e+00> : vector<1024x8xf32>
    %dot_general3A_23 = tpu.matmul %mul3A_7, %get3A_21, %dot_general3A_22 {dimension_numbers = #tpu.dot_dimension_numbers<[1], [0], [0], [1], [0, 0, 1, 1], [], []>, transpose_lhs_hint = false} : vector<1024x16xf32>, vector<16x8xf32>, vector<1024x8xf32> -> vector<1024x8xf32>
    %get3A_24 = arith.constant 0 : index
    %get3A_25 = arith.constant 0 : index
    %get3A_26 = vector.load %arg6[%get3A_24, %get3A_25] : memref<1x8xf32, #tpu.memory_space<vmem>>, vector<1x8xf32>
    %add3A_27 = vector.broadcast %get3A_26 : vector<1x8xf32> to vector<1024x8xf32>
    %add3A_28 = arith.addf %dot_general3A_23, %add3A_27 : vector<1024x8xf32>
    %swap3A_29 = arith.constant 0 : index
    %swap3A_30 = arith.constant 0 : index
    %swap3A_31 = vector.load %arg8[%swap3A_29, %swap3A_30] : memref<1024x8xf32, #tpu.memory_space<vmem>>, vector<1024x8xf32>
    tpu.vector_store %arg8[%swap3A_29, %swap3A_30], %add3A_28 {strides = array<i32>} : memref<1024x8xf32, #tpu.memory_space<vmem>>, vector<1024x8xf32>,
    return
  }
  func.func @transform_0(%arg0: i32) -> (i32, i32) {
    %c0_i32 = arith.constant 0 : i32
    %c0_i32_0 = arith.constant 0 : i32
    return %arg0, %c0_i32 : i32, i32
  }
  func.func @transform_1(%arg0: i32) -> (i32, i32) {
    %c0_i32 = arith.constant 0 : i32
    %c0_i32_0 = arith.constant 0 : i32
    %c0_i32_1 = arith.constant 0 : i32
    return %c0_i32, %c0_i32_0 : i32, i32
  }
  func.func @transform_2(%arg0: i32) -> (i32, i32) {
    %c0_i32 = arith.constant 0 : i32
    %c0_i32_0 = arith.constant 0 : i32
    %c0_i32_1 = arith.constant 0 : i32
    return %c0_i32, %c0_i32_0 : i32, i32
  }
  func.func @transform_3(%arg0: i32) -> (i32, i32) {
    %c0_i32 = arith.constant 0 : i32
    %c0_i32_0 = arith.constant 0 : i32
    %c0_i32_1 = arith.constant 0 : i32
    return %c0_i32, %c0_i32_0 : i32, i32
  }
  func.func @transform_4(%arg0: i32) -> (i32, i32) {
    %c0_i32 = arith.constant 0 : i32
    %c0_i32_0 = arith.constant 0 : i32
    %c0_i32_1 = arith.constant 0 : i32
    return %c0_i32, %c0_i32_0 : i32, i32
  }
  func.func @transform_5(%arg0: i32) -> (i32, i32) {
    %c0_i32 = arith.constant 0 : i32
    %c0_i32_0 = arith.constant 0 : i32
    %c0_i32_1 = arith.constant 0 : i32
    return %c0_i32, %c0_i32_0 : i32, i32
  }
  func.func @transform_6(%arg0: i32) -> (i32, i32) {
    %c0_i32 = arith.constant 0 : i32
    %c0_i32_0 = arith.constant 0 : i32
    return %arg0, %c0_i32 : i32, i32
  }
  func.func @transform_7(%arg0: i32) -> (i32, i32) {
    %c0_i32 = arith.constant 0 : i32
    %c0_i32_0 = arith.constant 0 : i32
    return %arg0, %c0_i32 : i32, i32
  }
}

</mosaic_0001>

<sc_bundles>
// kernel: kernel.4.cloned.1.call-start
scs
__scs_entry_jumppad:
0x0: {  	(pc) =	sbr.rel $0x88, $3  }
0x1: {  	(tag) =	ssettag $0x0;
	lr =	simm.s32 $0x1  }
0x2: {  	[smem:$0x3F9B] =	sst lr;
	_ =	strace $0xD0000000  }
0x3: {  	_ = 	snop  }
0x4: {  	_ = 	snop  }
0x5: {  	_ = 	snop  }
0x6: {  	_ = 	snop  }
0x7: {  	_ = 	snop  }
__scs_overlays_trampoline_lowered:
0x8: {  	[smem:$0x3FAA] =	sst s0  }
0x9: {  	[smem:$0x3FAB] =	sst s1  }
0xa: {  	[smem:$0x3FAC] =	sst s2  }
0xb: {  	[smem:$0x3FAD] =	sst s3  }
0xc: {  	[smem:$0x3FAE] =	sst s4  }
0xd: {  	[smem:$0x3FAF] =	sst s5  }
0xe: {  	[smem:$0x3FB0] =	sst s6  }
0xf: {  	[smem:$0x3FB1] =	sst s7  }
0x10: {  	[smem:$0x3FB2] =	sst s8  }
0x11: {  	[smem:$0x3FB3] =	sst s9;
	s0 =	simm.s32 @!p0 $0x0  }
0x12: {  	s1 =	sld [smem:$0x3F99];
	s0 =	simm.s32 @p0 $0x1  }
0x13: {  	[smem:$0x3FB4] =	sst s0;
	s0 =	simm.s32 @!p1 $0x0  }
0x14: {  	s2 =	sld [smem:$0x3F98];
	s0 =	simm.s32 @p1 $0x1  }
0x15: {  	[smem:$0x3FB5] =	sst s0;
	s0 =	simm.s32 @!p2 $0x0  }
0x16: {  	s3 =	sld [smem:$0x3FDB];
	s0 =	simm.s32 @p2 $0x1  }
0x17: {  	s4 =	simm.s32 $0x1BF5;
	[smem:$0x3FB7] =	sst s0  }
0x18: {  	s0 =	sld [smem:$0x3F9A];
	_ =	swait.ge [sflag:s4], $0x0  }
0x19: {  	s7 =	sld [smem:$0x3F9B]  }
0x1a: {  	s8 =	sadd.s32 $0xFFFFE003, lr  }
0x1b: {  	s9 =	sadd.s32 $0xFFFFFEF7, lr;
	s5 =	simm.s32 $0xFFFFFFFF;
	p2 =	slt.u32 s8, $0xFFFFF086  }
0x1c: {  	p1 =	slt.u32 s9, $0xF7A;
	s5 =	simm.s32 @!p2 $0x0  }
0x1d: {  	s5 =	simm.s32 @p1 $0x1;
	p0 =	seq.s32 s7, s2  }
0x1e: {  	s7 =	smul.u32 @!p0 $0xF7A, s2;
	p2 =	seq.s32 @!p0 s5, $0x0  }
0x1f: {  	s9 =	smul.u32 $0xF7A, s1;
	s8 =	simm.s32 @!p0 $0x1BF5;
	p2 =	por !p2, p0  }
0x20: {  	[sflag:s8] =	ssyncset.s32 @!p0 $0xFFFFF086;
	s6 =	sadd.s32 @!p0 s3, s7;
	s7 =	simm.s32 @!p0 $0x108  }
0x21: {  	s3 =	sadd.s32 s3, s9;
	s6 =	sadd.s32 @!p0 $0x88, s6;
	s7 =	simm.s32 @p2 $0x1082  }
0x22: {  	[simem:s7], [sflag:s8] =	dma.local @!p0 [hbm:s6], $0xF7A  }
0x23: {  	s9 =	sor.u32 $0xD0000000, s2;
	s6 =	simm.s32 $0x108;
	_ =	swait.ge @!p0 [sflag:s8], $0x0  }
0x24: {  	s3 =	sadd.s32 $0x88, s3;
	s6 =	simm.s32 @!p1 $0x1082;
	[sflag:s4] =	ssyncset.s32 $0xFFFFF086  }
0x25: {  	[simem:s6], [sflag:s4] =	dma.local [hbm:s3], $0xF7A  }
0x26: {  	[smem:$0x3F9B] =	sst s1;
	(tag) =	ssettag s2;
	_ =	strace s9  }
0x27: {  	s1 =	sld [smem:$0x3FAB]  }
0x28: {  	s2 =	sld [smem:$0x3FAC]  }
0x29: {  	s4 =	sld [smem:$0x3FAE]  }
0x2a: {  	p0 =	seq.s32 s5, $0x0;
	s5 =	sld [smem:$0x3FAF]  }
0x2b: {  	s6 =	sld [smem:$0x3FB0]  }
0x2c: {  	s7 =	sld [smem:$0x3FB1]  }
0x2d: {  	s3 =	simm.s32 $0x108;
	s8 =	sld [smem:$0x3FB2]  }
0x2e: {  	s3 =	simm.s32 @!p0 $0x1082;
	s9 =	sld [smem:$0x3FB3]  }
0x2f: {  	lr =	sadd.s32 s0, s3;
	s0 =	sld [smem:$0x3FAA]  }
0x30: {  	s3 =	sld [smem:$0x3FAD]  }
0x31: {  	[smem:$0x3FB6] =	sst s10  }
0x32: {  	s10 =	sld [smem:$0x3FB4];
	_ =	sdelay $0x3  }
0x33: {  	p0 =	seq.s32 s10, $0x1;
	s10 =	sld [smem:$0x3FB6];
	_ =	sdelay $0x3  }
0x34: {  	[smem:$0x3FB6] =	sst s10  }
0x35: {  	s10 =	sld [smem:$0x3FB5];
	_ =	sdelay $0x3  }
0x36: {  	p1 =	seq.s32 s10, $0x1;
	s10 =	sld [smem:$0x3FB6];
	_ =	sdelay $0x3  }
0x37: {  	[smem:$0x3FB6] =	sst s10  }
0x38: {  	s10 =	sld [smem:$0x3FB7]  }
0x39: {  	_ = 	snop;
	(pc) =	sbr.ind lr, $3  }
0x3a: {  	_ = 	snop  }
0x3b: {  	_ = 	snop  }
0x3c: {  	p2 =	seq.s32 s10, $0x1;
	s10 =	sld [smem:$0x3FB6]  }
0x3d: {  	_ =	shalt  }
0x3e: {  	_ =	shalt  }
0x3f: {  	_ =	shalt  }
0x40: {  	_ =	shalt  }
0x41: {  	_ =	shalt  }
0x42: {  	_ =	shalt  }
0x43: {  	_ =	shalt  }
0x44: {  	_ =	shalt  }
0x45: {  	_ =	shalt  }
0x46: {  	_ =	shalt  }
0x47: {  	_ =	shalt  }
0x48: {  	_ =	shalt  }
0x49: {  	_ =	shalt  }
0x4a: {  	_ =	shalt  }
0x4b: {  	_ =	shalt  }
0x4c: {  	_ =	shalt  }
0x4d: {  	_ =	shalt  }
0x4e: {  	_ =	shalt  }
0x4f: {  	_ =	shalt  }
0x50: {  	_ =	shalt  }
0x51: {  	_ =	shalt  }
0x52: {  	_ =	shalt  }
0x53: {  	_ =	shalt  }
0x54: {  	_ =	shalt  }
0x55: {  	_ =	shalt  }
0x56: {  	_ =	shalt  }
0x57: {  	_ =	shalt  }
0x58: {  	_ =	shalt  }
0x59: {  	_ =	shalt  }
0x5a: {  	_ =	shalt  }
0x5b: {  	_ =	shalt  }
0x5c: {  	_ =	shalt  }
0x5d: {  	_ =	shalt  }
0x5e: {  	_ =	shalt  }
0x5f: {  	_ =	shalt  }
0x60: {  	_ =	shalt  }
0x61: {  	_ =	shalt  }
0x62: {  	_ =	shalt  }
0x63: {  	_ =	shalt  }
0x64: {  	_ =	shalt  }
0x65: {  	_ =	shalt  }
0x66: {  	_ =	shalt  }
0x67: {  	_ =	shalt  }
0x68: {  	_ =	shalt  }
0x69: {  	_ =	shalt  }
0x6a: {  	_ =	shalt  }
0x6b: {  	_ =	shalt  }
0x6c: {  	_ =	shalt  }
0x6d: {  	_ =	shalt  }
0x6e: {  	_ =	shalt  }
0x6f: {  	_ =	shalt  }
0x70: {  	_ =	shalt  }
0x71: {  	_ =	shalt  }
0x72: {  	_ =	shalt  }
0x73: {  	_ =	shalt  }
0x74: {  	_ =	shalt  }
0x75: {  	_ =	shalt  }
0x76: {  	_ =	shalt  }
0x77: {  	_ =	shalt  }
0x78: {  	_ =	shalt  }
0x79: {  	_ =	shalt  }
0x7a: {  	_ =	shalt  }
0x7b: {  	_ =	shalt  }
0x7c: {  	_ =	shalt  }
0x7d: {  	_ =	shalt  }
0x7e: {  	_ =	shalt  }
0x7f: {  	_ =	shalt  }
0x80: {  	_ =	shalt  }
0x81: {  	_ =	shalt  }
0x82: {  	_ =	shalt  }
0x83: {  	_ =	shalt  }
0x84: {  	_ =	shalt  }
0x85: {  	_ =	shalt  }
0x86: {  	_ =	shalt  }
0x87: {  	_ =	shalt  }
.Lfunc_end0:
.L_simem_size_0:
called_computation_lowered:
.L_overlay_start_0:
0x88: {  	s2 =	sld [smem:$0x3FD9]  }
0x89: {  	s3 =	sld [smem:$0x3FFE];
	_ =	sdelay $0x1  }
0x8a: {  	s1 =	srdreg.scid  }
0x8b: {  	s0 =	sand.u32 $0x1, s1  }
0x8c: {  	s15 =	sshll.u32 s0, $0xA;
	s2 =	sadd.s32 s3, s2  }
0x8d: {  	s2 =	sadd.s32 s2, s15  }
0x8e: {  	[smem:$0x3FC2] =	sst s2  }
0x8f: {  	_ = 	snop  }
0x90: {  	s2 =	sld [smem:$0x3FD0];
	_ =	sdelay $0x2  }
0x91: {  	s16 =	simm.s32 $0xA;
	s4 =	simm.s32 $0x10  }
0x92: {  	[smem:s4], [sflag:s16] =	dma.local [hbm:s2], $0x1  }
0x93: {  	_ =	swait.eq [sflag:s16], $0x1  }
0x94: {  	[sflag:s16] =	ssyncset.done $0x0  }
0x95: {  	s17 =	sld [smem:$0x10];
	[sflag:s16] =	ssyncadd.s32 $0xFFFFFFFF  }
0x96: {  	s18 =	sld [smem:$0x12];
	(tm) =	ssettm $0x1  }
0x97: {  	s19 =	sld [smem:$0x3FFB];
	_ =	sdelay $0x3  }
0x98: {  	_ =	strace s19  }
0x99: {  	s4 =	sld [smem:$0x3FFC];
	_ =	sdelay $0x3  }
0x9a: {  	_ =	strace s4  }
0x9b: {  	s4 =	sld [smem:$0x3FFD];
	_ =	sdelay $0x3  }
0x9c: {  	_ =	strace s4  }
0x9d: {  	_ =	strace $0x8FFFFFFF  }
0x9e: {  	s20 =	sld [smem:$0x3FDB];
	_ =	sdelay $0x1  }
0x9f: {  	s5 =	simm.s32 $_scs_section_size  }
0xa0: {  	s6 =	simm.s32 $_size__tile_overlayer_lowered;
	s7 =	simm.s32 $_tile_overlayer_lowered  }
0xa1: {  	s23 =	simm.s32 $0x1BFF;
	s22 =	sshll.u32 s7, $0x1;
	s4 =	sadd.s32 s5, s20  }
0xa2: {  	s8 =	simm.s32 $0x0;
	s21 =	sshll.u32 s6, $0x1;
	s6 =	sadd.s32 s22, s4  }
0xa3: {  	[timem:s8], [sflag:s23] =	dma.local [hbm:s6], s21  }
0xa4: {  	_ =	swait.ge [sflag:s23], s21  }
0xa5: {  	s5 =	ssub.s32 $0x0, s21;
	[sflag:s23] =	ssyncset.done $0x0  }
0xa6: {  	[sflag:s23] =	ssyncadd.s32 s5;
	_ =	sdelay $0x1  }
0xa7: {  	s24 =	simm.s32 $0x1B8B  }
0xa8: {  	_ =	swait.ge [sflag:s24], $0x1  }
0xa9: {  	[sflag:s24] =	ssyncset.done $0x0  }
0xaa: {  	s25 =	simm.s32 $0x1B8E;
	[sflag:s24] =	ssyncadd.s32 $0xFFFFFFFF  }
0xab: {  	s26 =	simm.s32 $execute0_lowered;
	[smem:$0x3FD2] =	sst s25  }
0xac: {  	s5 =	sshll.u32 s26, $0x1;
	_ =	strace $0x80000046;
	[dreg:$0x1] =	wrdreg $0xFFFFFFFF  }
0xad: {  	s28 =	simm.s32 $_size_execute0_lowered;
	s4 =	sadd.s32 s4, s5;
	[dreg:$0x0] =	wrdreg $0x0  }
0xae: {  	s5 =	sshll.u32 s28, $0x1;
	[dreg:$0x2] =	wrdreg s4  }
0xaf: {  	[dreg:$0x3] =	wrdreg s5  }
0xb0: {  	[dreg:$0x4] =	wrdreg $0xC0  }
0xb1: {  	_ =	task [dreg:s8], $0x5FFFF  }
0xb2: {  	[dreg:$0x1] =	wrdreg $0xFFFFFFFF  }
0xb3: {  	[dreg:$0x0] =	wrdreg $0x60  }
0xb4: {  	[dreg:$0x2] =	wrdreg s18  }
0xb5: {  	[dreg:$0x3] =	wrdreg s17  }
0xb6: {  	[dreg:$0x4] =	wrdreg $0x9  }
0xb7: {  	_ =	task.clear_ibuf [dreg:s8], $0x5FFFF;
	_ =	strace $0x90000046  }
0xb8: {  	s29 =	simm.s32 $0x9;
	_ =	strace $0x80000048  }
0xb9: {  	_ =	swait.ge [sflag:s29], $0x1  }
0xba: {  	[sflag:s29] =	ssyncadd.s32 $0xFFFFFFFF  }
0xbb: {  	_ =	strace $0x90000048  }
0xbc: {  	_ =	sfence  }
0xbd: {  	s30 =	sld [smem:$0x0];
	_ =	sdelay $0x2  }
0xbe: {  	s31 =	sshll.u32 s1, $0xD;
	s1 =	sshrl.u32 s1, $0x2  }
0xbf: {  	s3 =	sand.u32 $0x4000, s31;
	s1 =	sadd.s32 s1, s30  }
0xc0: {  	s0 =	sor.u32 s3, s0;
	s1 =	sshll.u32 s1, $0x11  }
0xc1: {  	s0 =	sor.u32 s1, s0  }
0xc2: {  	s0 =	sadd.s32 $0x8F2B, s0  }
0xc3: {  	[sflag:s0] =	ssyncadd.remote.s32 $0x1  }
0xc4: {  	_ =	sfence.sel $0xFFFF  }
0xc5: {  	[dreg:$0x0] =	wrdreg $0xFFFFFFFF;
	(pc) =	sbr.abs _section_cstart, $3  }
0xc6: {  	[dreg:$0x1] =	wrdreg $0xFFFFFFFF  }
0xc7: {  	_ =	task.clear_ibuf [dreg:s8], $0x2FFFF;
	_ =	strace $0x9FFFFFFF  }
0xc8: {  	(tm) =	ssettm $0x7FFFFFFF  }
0xc9: {  	_ =	shalt  }
tec
execute0_lowered:
.L_overlay_start_1:
0x0: {  	(tag) =	ssettag $0x1  }
0x1: {  	s3 =	rddreg [dreg:$0x0]  }
0x2: {  	s4 =	rddreg [dreg:$0x1];
	v1 =	vlaneseq.u32  }
0x3: {  	s2 =	srdreg.scid;
	s0 =	stileid.u32;
	v0 =	vmul.u32 $0xC8, v1;
	v1 =	vmul.u32 $0x40, v1  }
0x4: {  	s1 =	rddreg [dreg:$0x2];
	v2 =	vimm.f32 $0.0e+00;
	s5 =	sand.u32 $0x1, s2;
	s6 =	sshll.u32 s0, $0x1  }
0x5: {  	v3 =	vimm.f32 $1.000000000e+00;
	s2 =	simm.s32 $0x0;
	s7 =	ssub.s32 $0x2, s5;
	s5 =	sor.u32 s5, s6;
	v4 =	vadd.s32 $0xC80, v0;
	v5 =	vor.u32 $0x400, v1  }
0x6: {  	[smem:$0x7FF] =	sst s2;
	s31 =	sshrl.u32 s7, $0x1;
	s8 =	smul.u32 $0xC80, s5;
	v6 =	vadd.s32 $0x1900, v0;
	v7 =	vor.u32 $0x800, v1;
	v8 =	vadd.s32 $0x2580, v0  }
0x7: {  	_ =	strace $0x80000047;
	s5 =	sshll.u32 s5, $0xA;
	v9 =	vor.u32 $0xC00, v1;
	v10 =	vadd.s32 $0x3200, v0;
	v11 =	vor.u32 $0x1000, v1;
	s6 =	ssub.s32 s7, s31  }
0x8: {  	v12 =	vadd.s32 $0x3E80, v0;
	v13 =	vor.u32 $0x1400, v1;
	v14 =	vadd.s32 $0x4B00, v0;
	s4 =	sadd.s32 s4, s5;
	s7 =	simm.s32 $0x6400;
	s3 =	sadd.s32 s3, s8  }
0x9: {  	v15 =	vor.u32 $0x1800, v1;
	v16 =	vadd.s32 $0x5780, v0;
	v17 =	vor.u32 $0x1C00, v1;
	s5 =	smax.u32 s6, $0x1;
	s6 =	simm.s32 $0x1;
	s8 =	simm.s32 $0x0  }
.LBB2_1:
0xa: {  	[tilespmem:s2], [sflag:$0x1] =	stream.linear.gather [hbm4b:s3+s2], $0x6400, $0x38;
	[tilespmem:$0x8400] =	vst v63  }
0xb: {  	_ =	swait.ge [sflag:s6], $0x6400  }
0xc: {  	[sflag:s6] =	ssyncset.done $0x0  }
0xd: {  	s9 =	simm.s32 $0x40;
	s11 =	simm.s32 $0x0;
	[sflag:s6] =	ssyncadd.s32 $0xFFFF9C00  }
.LBB2_2:
0xe: {  	p0 =	sne.s32 s9, $0x7FC0;
	[tilespmem:s11+$0x6400] =	vst v2;
	s10 =	smov.u32 s9;
	s9 =	sadd.s32 $0x40, s9  }
.Ltmp0:
0xf: {  	(pc) =	sbr.rel @p0 .LBB2_2-.Ltmp0, $2  }
0x10: {  	_ =	sdelay $0x2  }
0x11: {  	s11 =	sshra.s32 s10, $0x2  }
0x12: {  	s10 =	simm.s32 $0x0  }
0x13: {  	v18 =	vadd.s32 s10, v0;
	_ =	sdelay $0x3  }
0x14: {  	[tilespmem:s11+$0x6400] =	vst v2  }
0x15: {  	v18 =	vld.idx.msk [tilespmem:v18+s10+$0x0], $0xffff;
	_ =	sdelay $0x4  }
0x16: {  	s9 =	simm.s32 $0x1;
	v18 =	vadd.s32 v1, v18  }
0x17: {  	s11 =	simm.s32 $0x2;
	v19 =	vadd.s32 s9, v0  }
.LBB2_4:
0x18: {  	p0 =	sne.s32 s11, $0xC7;
	_ =	sdelay $0x2  }
0x19: {  	[tilespmem:v18+s7+$0x0] =	vst.idx.add.f32.msk $0xffff, v3  }
0x1a: {  	v18 =	vld.idx.msk [tilespmem:v19+s10+$0x0], $0xffff;
	_ =	sdelay $0x2  }
.Ltmp1:
0x1b: {  	(pc) =	sbr.rel @p0 .LBB2_4-.Ltmp1, $3  }
0x1c: {  	_ =	sdelay $0x1  }
0x1d: {  	v18 =	vadd.s32 v1, v18  }
0x1e: {  	v19 =	vadd.s32 s11, v0;
	s11 =	sadd.s32 $0x1, s11  }
0x1f: {  	_ =	sdelay $0x3  }
0x20: {  	[tilespmem:v18+s7+$0x0] =	vst.idx.add.f32.msk $0xffff, v3  }
0x21: {  	v18 =	vld.idx.msk [tilespmem:v19+s10+$0x0], $0xffff;
	_ =	sdelay $0x4  }
0x22: {  	v18 =	vadd.s32 v1, v18  }
0x23: {  	v19 =	vadd.s32 s10, v4;
	_ =	sdelay $0x3  }
0x24: {  	s10 =	simm.s32 $0x0;
	[tilespmem:v18+s7+$0x0] =	vst.idx.add.f32.msk $0xffff, v3  }
0x25: {  	v18 =	vld.idx.msk [tilespmem:v19+s10+$0x0], $0xffff;
	_ =	sdelay $0x4  }
0x26: {  	v18 =	vadd.s32 v5, v18  }
0x27: {  	v19 =	vadd.s32 s9, v4;
	s9 =	simm.s32 $0x2  }
.LBB2_6:
0x28: {  	p0 =	sne.s32 s9, $0xC7;
	_ =	sdelay $0x2  }
0x29: {  	[tilespmem:v18+s7+$0x0] =	vst.idx.add.f32.msk $0xffff, v3  }
0x2a: {  	v18 =	vld.idx.msk [tilespmem:v19+s10+$0x0], $0xffff;
	_ =	sdelay $0x2  }
.Ltmp2:
0x2b: {  	(pc) =	sbr.rel @p0 .LBB2_6-.Ltmp2, $3  }
0x2c: {  	_ =	sdelay $0x1  }
0x2d: {  	v18 =	vadd.s32 v5, v18  }
0x2e: {  	v19 =	vadd.s32 s9, v4;
	s9 =	sadd.s32 $0x1, s9  }
0x2f: {  	_ =	sdelay $0x3  }
0x30: {  	s9 =	simm.s32 $0x0;
	[tilespmem:v18+s7+$0x0] =	vst.idx.add.f32.msk $0xffff, v3  }
0x31: {  	v18 =	vld.idx.msk [tilespmem:v19+s9+$0x0], $0xffff;
	_ =	sdelay $0x4  }
0x32: {  	p1 =	por $0x1, $0x1;
	v18 =	vadd.s32 v5, v18  }
.Ltmp3:
0x33: {  	_ = 	snop;
	(pc) =	sbr.rel @!p1 .LBB2_8-.Ltmp3, $2  }
0x34: {  	_ =	sdelay $0x2  }
0x35: {  	s10 =	simm.s32 $0x1;
	p0 =	por $0x0, $0x0;
	[tilespmem:v18+s7+$0x0] =	vst.idx.add.f32.msk $0xffff, v3;
	v18 =	vadd.s32 s9, v6  }
0x36: {  	_ =	sdelay $0x3  }
0x37: {  	v18 =	vld.idx.msk [tilespmem:v18+s9+$0x0], $0xffff  }
0x38: {  	p3 =	por $0x1, $0x1  }
.Ltmp4:
0x39: {  	_ = 	snop;
	(pc) =	sbr.rel @!p3 .LBB2_11-.Ltmp4, $3  }
0x3a: {  	_ =	sdelay $0x1  }
0x3b: {  	v19 =	vadd.s32 v7, v18  }
0x3c: {  	s11 =	simm.s32 $0x2;
	p2 =	por $0x1, $0x1;
	v18 =	vadd.s32 s10, v6  }
.LBB2_10:
0x3d: {  	p3 =	sne.s32 s11, $0xC7;
	_ =	sdelay $0x2  }
0x3e: {  	[tilespmem:v19+s7+$0x0] =	vst.idx.add.f32.msk $0xffff, v3  }
0x3f: {  	v18 =	vld.idx.msk [tilespmem:v18+s9+$0x0], $0xffff;
	_ =	sdelay $0x2  }
.Ltmp5:
0x40: {  	(pc) =	sbr.rel @p3 .LBB2_10-.Ltmp5, $3  }
0x41: {  	_ =	sdelay $0x1  }
0x42: {  	v19 =	vadd.s32 v7, v18  }
0x43: {  	v18 =	vadd.s32 s11, v6;
	s11 =	sadd.s32 $0x1, s11  }
.LBB2_11:
0x44: {  	_ =	sdelay $0x3  }
0x45: {  	[tilespmem:v19+s7+$0x0] =	vst.idx.add.f32.msk @p2 $0xffff, v3  }
0x46: {  	v18 =	vld.idx.msk [tilespmem:v18+s9+$0x0], $0xffff;
	_ =	sdelay $0x4  }
0x47: {  	v18 =	vadd.s32 v7, v18  }
.Ltmp6:
0x48: {  	_ = 	snop;
	(pc) =	sbr.rel @!p1 .LBB2_12-.Ltmp6, $2  }
0x49: {  	_ =	sdelay $0x2  }
0x4a: {  	[tilespmem:v18+s7+$0x0] =	vst.idx.add.f32.msk $0xffff, v3;
	v18 =	vadd.s32 s9, v8  }
0x4b: {  	_ =	sdelay $0x2  }
0x4c: {  	s9 =	simm.s32 $0x0  }
0x4d: {  	v18 =	vld.idx.msk [tilespmem:v18+s9+$0x0], $0xffff  }
0x4e: {  	p1 =	por $0x1, $0x1  }
.Ltmp7:
0x4f: {  	_ = 	snop;
	(pc) =	sbr.rel @!p1 .LBB2_15-.Ltmp7, $3  }
0x50: {  	_ =	sdelay $0x1  }
0x51: {  	v19 =	vadd.s32 v9, v18  }
0x52: {  	p0 =	por $0x1, $0x1;
	v18 =	vadd.s32 s10, v8;
	s10 =	simm.s32 $0x2  }
.LBB2_14:
0x53: {  	p1 =	sne.s32 s10, $0xC7;
	_ =	sdelay $0x2  }
0x54: {  	[tilespmem:v19+s7+$0x0] =	vst.idx.add.f32.msk $0xffff, v3  }
0x55: {  	v18 =	vld.idx.msk [tilespmem:v18+s9+$0x0], $0xffff;
	_ =	sdelay $0x2  }
.Ltmp8:
0x56: {  	(pc) =	sbr.rel @p1 .LBB2_14-.Ltmp8, $3  }
0x57: {  	_ =	sdelay $0x1  }
0x58: {  	v19 =	vadd.s32 v9, v18  }
0x59: {  	v18 =	vadd.s32 s10, v8;
	s10 =	sadd.s32 $0x1, s10  }
.LBB2_15:
0x5a: {  	_ =	sdelay $0x3  }
0x5b: {  	s9 =	simm.s32 $0x0;
	[tilespmem:v19+s7+$0x0] =	vst.idx.add.f32.msk @p0 $0xffff, v3  }
0x5c: {  	v18 =	vld.idx.msk [tilespmem:v18+s9+$0x0], $0xffff;
	_ =	sdelay $0x4  }
0x5d: {  	p1 =	por $0x1, $0x1;
	v18 =	vadd.s32 v9, v18  }
.Ltmp9:
0x5e: {  	_ = 	snop;
	(pc) =	sbr.rel @!p1 .LBB2_16-.Ltmp9, $2  }
0x5f: {  	_ =	sdelay $0x2  }
0x60: {  	s10 =	simm.s32 $0x1;
	p0 =	por $0x0, $0x0;
	[tilespmem:v18+s7+$0x0] =	vst.idx.add.f32.msk $0xffff, v3;
	v18 =	vadd.s32 s9, v10  }
0x61: {  	_ =	sdelay $0x3  }
0x62: {  	v18 =	vld.idx.msk [tilespmem:v18+s9+$0x0], $0xffff  }
0x63: {  	p3 =	por $0x1, $0x1  }
.Ltmp10:
0x64: {  	_ = 	snop;
	(pc) =	sbr.rel @!p3 .LBB2_19-.Ltmp10, $3  }
0x65: {  	_ =	sdelay $0x1  }
0x66: {  	v19 =	vadd.s32 v11, v18  }
0x67: {  	s11 =	simm.s32 $0x2;
	p2 =	por $0x1, $0x1;
	v18 =	vadd.s32 s10, v10  }
.LBB2_18:
0x68: {  	p3 =	sne.s32 s11, $0xC7;
	_ =	sdelay $0x2  }
0x69: {  	[tilespmem:v19+s7+$0x0] =	vst.idx.add.f32.msk $0xffff, v3  }
0x6a: {  	v18 =	vld.idx.msk [tilespmem:v18+s9+$0x0], $0xffff;
	_ =	sdelay $0x2  }
.Ltmp11:
0x6b: {  	(pc) =	sbr.rel @p3 .LBB2_18-.Ltmp11, $3  }
0x6c: {  	_ =	sdelay $0x1  }
0x6d: {  	v19 =	vadd.s32 v11, v18  }
0x6e: {  	v18 =	vadd.s32 s11, v10;
	s11 =	sadd.s32 $0x1, s11  }
.LBB2_19:
0x6f: {  	_ =	sdelay $0x3  }
0x70: {  	[tilespmem:v19+s7+$0x0] =	vst.idx.add.f32.msk @p2 $0xffff, v3  }
0x71: {  	v18 =	vld.idx.msk [tilespmem:v18+s9+$0x0], $0xffff;
	_ =	sdelay $0x4  }
0x72: {  	v18 =	vadd.s32 v11, v18  }
.Ltmp12:
0x73: {  	_ = 	snop;
	(pc) =	sbr.rel @!p1 .LBB2_20-.Ltmp12, $2  }
0x74: {  	_ =	sdelay $0x2  }
0x75: {  	[tilespmem:v18+s7+$0x0] =	vst.idx.add.f32.msk $0xffff, v3;
	v18 =	vadd.s32 s9, v12  }
0x76: {  	_ =	sdelay $0x2  }
0x77: {  	s9 =	simm.s32 $0x0  }
0x78: {  	v18 =	vld.idx.msk [tilespmem:v18+s9+$0x0], $0xffff  }
0x79: {  	p1 =	por $0x1, $0x1  }
.Ltmp13:
0x7a: {  	_ = 	snop;
	(pc) =	sbr.rel @!p1 .LBB2_23-.Ltmp13, $3  }
0x7b: {  	_ =	sdelay $0x1  }
0x7c: {  	v19 =	vadd.s32 v13, v18  }
0x7d: {  	p0 =	por $0x1, $0x1;
	v18 =	vadd.s32 s10, v12;
	s10 =	simm.s32 $0x2  }
.LBB2_22:
0x7e: {  	p1 =	sne.s32 s10, $0xC7;
	_ =	sdelay $0x2  }
0x7f: {  	[tilespmem:v19+s7+$0x0] =	vst.idx.add.f32.msk $0xffff, v3  }
0x80: {  	v18 =	vld.idx.msk [tilespmem:v18+s9+$0x0], $0xffff;
	_ =	sdelay $0x2  }
.Ltmp14:
0x81: {  	(pc) =	sbr.rel @p1 .LBB2_22-.Ltmp14, $3  }
0x82: {  	_ =	sdelay $0x1  }
0x83: {  	v19 =	vadd.s32 v13, v18  }
0x84: {  	v18 =	vadd.s32 s10, v12;
	s10 =	sadd.s32 $0x1, s10  }
.LBB2_23:
0x85: {  	_ =	sdelay $0x3  }
0x86: {  	s9 =	simm.s32 $0x0;
	[tilespmem:v19+s7+$0x0] =	vst.idx.add.f32.msk @p0 $0xffff, v3  }
0x87: {  	v18 =	vld.idx.msk [tilespmem:v18+s9+$0x0], $0xffff;
	_ =	sdelay $0x4  }
0x88: {  	p1 =	por $0x1, $0x1;
	v18 =	vadd.s32 v13, v18  }
.Ltmp15:
0x89: {  	_ = 	snop;
	(pc) =	sbr.rel @!p1 .LBB2_24-.Ltmp15, $2  }
0x8a: {  	_ =	sdelay $0x2  }
0x8b: {  	s10 =	simm.s32 $0x1;
	p0 =	por $0x0, $0x0;
	[tilespmem:v18+s7+$0x0] =	vst.idx.add.f32.msk $0xffff, v3;
	v18 =	vadd.s32 s9, v14  }
0x8c: {  	_ =	sdelay $0x3  }
0x8d: {  	v18 =	vld.idx.msk [tilespmem:v18+s9+$0x0], $0xffff  }
0x8e: {  	p3 =	por $0x1, $0x1  }
.Ltmp16:
0x8f: {  	_ = 	snop;
	(pc) =	sbr.rel @!p3 .LBB2_27-.Ltmp16, $3  }
0x90: {  	_ =	sdelay $0x1  }
0x91: {  	v19 =	vadd.s32 v15, v18  }
0x92: {  	s11 =	simm.s32 $0x2;
	p2 =	por $0x1, $0x1;
	v18 =	vadd.s32 s10, v14  }
.LBB2_26:
0x93: {  	p3 =	sne.s32 s11, $0xC7;
	_ =	sdelay $0x2  }
0x94: {  	[tilespmem:v19+s7+$0x0] =	vst.idx.add.f32.msk $0xffff, v3  }
0x95: {  	v18 =	vld.idx.msk [tilespmem:v18+s9+$0x0], $0xffff;
	_ =	sdelay $0x2  }
.Ltmp17:
0x96: {  	(pc) =	sbr.rel @p3 .LBB2_26-.Ltmp17, $3  }
0x97: {  	_ =	sdelay $0x1  }
0x98: {  	v19 =	vadd.s32 v15, v18  }
0x99: {  	v18 =	vadd.s32 s11, v14;
	s11 =	sadd.s32 $0x1, s11  }
.LBB2_27:
0x9a: {  	_ =	sdelay $0x3  }
0x9b: {  	[tilespmem:v19+s7+$0x0] =	vst.idx.add.f32.msk @p2 $0xffff, v3  }
0x9c: {  	v18 =	vld.idx.msk [tilespmem:v18+s9+$0x0], $0xffff;
	_ =	sdelay $0x4  }
0x9d: {  	v18 =	vadd.s32 v15, v18  }
.Ltmp18:
0x9e: {  	_ = 	snop;
	(pc) =	sbr.rel @!p1 .LBB2_28-.Ltmp18, $2  }
0x9f: {  	_ =	sdelay $0x2  }
0xa0: {  	[tilespmem:v18+s7+$0x0] =	vst.idx.add.f32.msk $0xffff, v3;
	v18 =	vadd.s32 s9, v16  }
0xa1: {  	_ =	sdelay $0x3  }
0xa2: {  	v18 =	vld.idx.msk [tilespmem:v18+s2+$0x0], $0xffff  }
0xa3: {  	p1 =	por $0x1, $0x1  }
.Ltmp19:
0xa4: {  	_ = 	snop;
	(pc) =	sbr.rel @!p1 .LBB2_31-.Ltmp19, $3  }
0xa5: {  	_ =	sdelay $0x1  }
0xa6: {  	v19 =	vadd.s32 v17, v18  }
0xa7: {  	s9 =	simm.s32 $0x2;
	p0 =	por $0x1, $0x1;
	v18 =	vadd.s32 s10, v16  }
.LBB2_30:
0xa8: {  	p1 =	sne.s32 s9, $0xC7;
	_ =	sdelay $0x2  }
0xa9: {  	[tilespmem:v19+s7+$0x0] =	vst.idx.add.f32.msk $0xffff, v3  }
0xaa: {  	v18 =	vld.idx.msk [tilespmem:v18+s2+$0x0], $0xffff;
	_ =	sdelay $0x2  }
.Ltmp20:
0xab: {  	(pc) =	sbr.rel @p1 .LBB2_30-.Ltmp20, $3  }
0xac: {  	_ =	sdelay $0x1  }
0xad: {  	v19 =	vadd.s32 v17, v18  }
0xae: {  	v18 =	vadd.s32 s9, v16;
	s9 =	sadd.s32 $0x1, s9  }
.LBB2_31:
0xaf: {  	_ =	sdelay $0x3  }
0xb0: {  	[tilespmem:v19+s7+$0x0] =	vst.idx.add.f32.msk @p0 $0xffff, v3  }
0xb1: {  	v18 =	vld.idx.msk [tilespmem:v18+s2+$0x0], $0xffff;
	_ =	sdelay $0x4  }
0xb2: {  	v18 =	vadd.s32 v17, v18;
	_ =	sdelay $0x3  }
0xb3: {  	s8 =	sadd.s32 $0x1, s8  }
0xb4: {  	p0 =	sne.s32 s8, s5;
	[tilespmem:v18+s7+$0x0] =	vst.idx.add.f32.msk $0xffff, v3  }
0xb5: {  	[hbm4b:s4+s2] =	stream.linear.scatter [tilespmem:s7], [sflag:$0x1], $0x2000, $0x38;
	[tilespmem:$0x8400] =	vst v63  }
.Ltmp21:
0xb6: {  	_ = 	snop;
	(pc) =	sbr.rel @p0 .LBB2_1-.Ltmp21, $4  }
.Ltmp22:
0xb7: {  	_ = 	snop;
	(pc) =	sbr.rel @!p0 .LBB2_32-.Ltmp22, $4  }
0xb8: {  	_ =	swait.ge [sflag:s6], $0x2000  }
0xb9: {  	[sflag:s6] =	ssyncset.done $0x0  }
0xba: {  	[sflag:s6] =	ssyncadd.s32 $0xFFFFE000  }
0xbb: {  	_ = 	snop  }
.LBB2_8:
.Ltmp23:
0xbc: {  	(pc) =	sbr.rel .LBB2_11-.Ltmp23, $2  }
0xbd: {  	_ =	sdelay $0x2  }
0xbe: {  	p2 =	por $0x0, $0x0  }
.LBB2_12:
.Ltmp24:
0xbf: {  	(pc) =	sbr.rel .LBB2_15-.Ltmp24, $2  }
0xc0: {  	_ =	sdelay $0x2  }
0xc1: {  	_ = 	snop  }
.LBB2_16:
.Ltmp25:
0xc2: {  	(pc) =	sbr.rel .LBB2_19-.Ltmp25, $2  }
0xc3: {  	_ =	sdelay $0x2  }
0xc4: {  	p2 =	por $0x0, $0x0  }
.LBB2_20:
.Ltmp26:
0xc5: {  	(pc) =	sbr.rel .LBB2_23-.Ltmp26, $2  }
0xc6: {  	_ =	sdelay $0x2  }
0xc7: {  	_ = 	snop  }
.LBB2_24:
.Ltmp27:
0xc8: {  	(pc) =	sbr.rel .LBB2_27-.Ltmp27, $2  }
0xc9: {  	_ =	sdelay $0x2  }
0xca: {  	p2 =	por $0x0, $0x0  }
.LBB2_28:
.Ltmp28:
0xcb: {  	(pc) =	sbr.rel .LBB2_31-.Ltmp28, $2  }
0xcc: {  	_ =	sdelay $0x2  }
0xcd: {  	_ = 	snop  }
.LBB2_32:
0xce: {  	_ =	sfence.sel $0x180000  }
0xcf: {  	[bflag:$0x0] =	sbarrier.arrive $0xFFFF  }
0xd0: {  	p0 =	sne.s32 s0, $0x0;
	_ =	strace $0x90000047  }
0xd1: {  	s0 =	sadd.s32 @!p0 $0x100000, s1;
	[bflag:$0x2] =	sbarrier.arrive $0xFFFF  }
0xd2: {  	[sflag:s0] =	ssyncadd.tile.s32 @!p0 $0x1;
	_ =	shalt  }
.Lfunc_end2:
_tile_overlayer_lowered:
.L_overlay_start_2:
0xd3: {  	(tag) =	ssettag $0x2  }
0xd4: {  	s0 =	rddreg [dreg:$0x0];
	s2 =	stileid.u32  }
0xd5: {  	s1 =	rddreg [dreg:$0x1];
	p0 =	sne.s32 s2, $0x0  }
0xd6: {  	s3 =	rddreg [dreg:$0x2];
	[bflag:$0x3] =	sbarrier.arrive $0xFFFF;
	s2 =	simm.s32 @!p0 $0x1C01  }
0xd7: {  	[timem:s3], [sflag:s2] =	dma.local @!p0 [hbm:s0], s1  }
0xd8: {  	s0 =	simm.s32 @!p0 $0x1  }
0xd9: {  	_ =	swait.ge @!p0 [sflag:s0], s1  }
0xda: {  	s1 =	ssub.s32 @!p0 $0x0, s1;
	[sflag:s0] =	ssyncset.done @!p0 $0x0  }
0xdb: {  	[sflag:s0] =	ssyncadd.s32 @!p0 s1  }
0xdc: {  	[bflag:$0x3] =	sbarrier.arrive $0xFFFF  }
0xdd: {  	_ =	shalt  }

</sc_bundles>
